<compile_context>
chip_gen: v7x
topology: tpu7x:2x2x1
jax: 0.10.2.dev20260603
libtpu: 0.0.44.dev20260713+nightly
codegen_flags: <defaults>
</compile_context>

<pallas_src>
import jax
import jax.numpy as jnp
from jax import lax
from jax.experimental import pallas as pl
from jax.experimental.pallas import tpu as pltpu

COMPRESSION_RATIO = 0.8
MAX_TOKENS = 2048


def _topk_kernel(scores_ref, idx_ref):
    B, N = scores_ref.shape
    K = idx_ref.shape[1]
    s0 = scores_ref[...]
    pos = lax.broadcasted_iota(jnp.int32, (1, N), 1)
    idx0 = jnp.broadcast_to(pos, (B, N)).astype(jnp.int32)

    def stage(carry):
        k, j, s, idx = carry
        bit_j = (pos & j) != 0
        desc = (pos & k) == 0
        back = pltpu.roll(s, j, 1)
        fwd = pltpu.roll(s, N - j, 1)
        sp = jnp.where(bit_j, back, fwd)
        backi = pltpu.roll(idx, j, 1)
        fwdi = pltpu.roll(idx, N - j, 1)
        ip = jnp.where(bit_j, backi, fwdi)
        self_better = (s > sp) | ((s == sp) & (idx < ip))
        keep_self = self_better == (bit_j == (~desc))
        s = jnp.where(keep_self, s, sp)
        idx = jnp.where(keep_self, idx, ip)
        j = j // 2
        k = jnp.where(j == 0, k * 2, k)
        j = jnp.where(j == 0, k // 2, j)
        return (k, j, s, idx)

    def cond(carry):
        return carry[0] <= N

    init = (jnp.int32(2), jnp.int32(1), s0, idx0)
    _, _, _, idx = lax.while_loop(cond, stage, init)
    idx_ref[...] = idx[:, :K]


def _topk_indices(scores, max_k):
    B, N = scores.shape
    return pl.pallas_call(
        _topk_kernel,
        out_shape=jax.ShapeDtypeStruct((B, max_k), jnp.int32),
    )(scores)


def kernel(padded_bag, key_padding_mask, text_feature_batch, W_q, b_q, W_k, b_k):
    B, N, D = padded_bag.shape
    num_patches = (~key_padding_mask).sum(axis=1)
    k_per_bag = (num_patches.astype(jnp.float32) * COMPRESSION_RATIO).astype(jnp.int32)
    k_per_bag = jnp.clip(k_per_bag, 1, MAX_TOKENS)
    k_per_bag = jnp.minimum(k_per_bag, num_patches.astype(jnp.int32))
    k_per_bag = jnp.where(k_per_bag == 0, 1, k_per_bag)
    max_k = min(max(1, min(int(N * COMPRESSION_RATIO), MAX_TOKENS)), N)

    text_q = text_feature_batch @ W_q.T + b_q
    patches_k = padded_bag @ W_k.T + b_k
    scores = jnp.einsum('bd,bnd->bn', text_q, patches_k)
    scores = jnp.where(key_padding_mask, -jnp.inf, scores)

    idx = _topk_indices(scores, max_k)
    compressed = jnp.take_along_axis(padded_bag, idx[:, :, None], axis=1)
    new_mask = jnp.arange(max_k)[None, :] >= k_per_bag[:, None]
    return (compressed, new_mask)

# --- scband reference (transcript-rebuilt; emitter-appended) ---
"""Pipeline reference for scband-kavtc-module-g2-44092134260978 (READ-ONLY COPY).

The authoritative reference and input builder live on the scoring server;
editing this copy changes nothing except your own understanding.
"""

import jax, jax.numpy as jnp
import numpy as np

EMBED_DIM = 768
COMPRESSION_RATIO = 0.8
MAX_TOKENS = 2048
B, N, D = 16, 8192, EMBED_DIM


def setup_inputs(seed: int = 0) -> dict:
    key = jax.random.key(seed)
    ks = jax.random.split(key, 6)
    padded_bag = jax.random.normal(ks[0], (B, N, D), dtype=jnp.float32)
    key_padding_mask = jnp.zeros((B, N), dtype=bool)
    text_feature_batch = jax.random.normal(ks[1], (B, D), dtype=jnp.float32)
    scale = 1.0 / np.sqrt(D)
    W_q = jax.random.uniform(ks[2], (D, D), minval=-scale, maxval=scale, dtype=jnp.float32)
    b_q = jax.random.uniform(ks[3], (D,), minval=-scale, maxval=scale, dtype=jnp.float32)
    W_k = jax.random.uniform(ks[4], (D, D), minval=-scale, maxval=scale, dtype=jnp.float32)
    b_k = jax.random.uniform(ks[5], (D,), minval=-scale, maxval=scale, dtype=jnp.float32)
    return {"padded_bag": padded_bag, "key_padding_mask": key_padding_mask,
            "text_feature_batch": text_feature_batch,
            "W_q": W_q, "b_q": b_q, "W_k": W_k, "b_k": b_k}


def reference(padded_bag, key_padding_mask, text_feature_batch, W_q, b_q, W_k, b_k):
    num_patches_per_bag = (~key_padding_mask).sum(axis=1)
    k_per_bag = (num_patches_per_bag.astype(jnp.float32) * COMPRESSION_RATIO).astype(jnp.int32)
    k_per_bag = jnp.clip(k_per_bag, 1, MAX_TOKENS)
    k_per_bag = jnp.minimum(k_per_bag, num_patches_per_bag.astype(jnp.int32))
    k_per_bag = jnp.where(k_per_bag == 0, 1, k_per_bag)
    n_static = padded_bag.shape[1]
    max_k = min(max(1, min(int(n_static * COMPRESSION_RATIO), MAX_TOKENS)), n_static)
    if max_k == 0:
        max_k = 1
    text_q = text_feature_batch @ W_q.T + b_q          # (B, D)
    patches_k = padded_bag @ W_k.T + b_k               # (B, N, D)
    scores = jnp.einsum('bd,bnd->bn', text_q, patches_k)  # (B, N) == bmm((B,1,D),(B,D,N)).squeeze(1)
    scores = jnp.where(key_padding_mask, -jnp.inf, scores)
    _, top_k_indices = jax.lax.top_k(scores, max_k)
    compressed_bag = jnp.take_along_axis(padded_bag, top_k_indices[:, :, None], axis=1)
    new_key_padding_mask = jnp.arange(max_k)[None, :] >= k_per_bag[:, None]
    return (compressed_bag, new_key_padding_mask)

if __name__ == "__main__":
    import jax
    _d = setup_inputs()
    print(jax.jit(kernel)(*tuple(_d.values())))

</pallas_src>

<mosaic_0001>
module attributes {stable_mosaic.version = 14 : i64} {
  func.func @_topk_kernel(%arg0: memref<16x8192xf32, #tpu.memory_space<vmem>>, %arg1: memref<16x2048xi32, #tpu.memory_space<vmem>>) attributes {dimension_semantics = [], scalar_prefetch = 0 : i64, scratch_operands = 0 : i64, tpu.core_type = #tpu.core_type<tc>} {
    %get3A = arith.constant 0 : index
    %get3A_0 = arith.constant 0 : index
    %get3A_1 = vector.load %arg0[%get3A, %get3A_0] : memref<16x8192xf32, #tpu.memory_space<vmem>>, vector<16x8192xf32>
    %iota3A = tpu.iota {dimensions = array<i32: 1>} : vector<1x8192xi32>
    %broadcast_in_dim3A = vector.shape_cast %iota3A : vector<1x8192xi32> to vector<1x8192xi32>
    %broadcast_in_dim3A_2 = vector.broadcast %broadcast_in_dim3A : vector<1x8192xi32> to vector<16x8192xi32>
    %while3A = arith.constant 2 : i32
    %while3A_3 = arith.constant 1 : i32
    %while3A_4:4 = scf.while (%while3A_7 = %while3A, %while3A_8 = %while3A_3, %while3A_9 = %get3A_1, %while3A_10 = %broadcast_in_dim3A_2) : (i32, i32, vector<16x8192xf32>, vector<16x8192xi32>) -> (i32, i32, vector<16x8192xf32>, vector<16x8192xi32>) {
      %le3A = arith.constant 8192 : i32
      %le3A_11 = arith.cmpi sle, %while3A_7, %le3A : i32
      scf.condition(%le3A_11) %while3A_7, %while3A_8, %while3A_9, %while3A_10 : i32, i32, vector<16x8192xf32>, vector<16x8192xi32>
    } do {
    ^bb0(%while3A_7: i32, %while3A_8: i32, %while3A_9: vector<16x8192xf32>, %while3A_10: vector<16x8192xi32>):
      %and3A = vector.broadcast %while3A_8 : i32 to vector<1x8192xi32>
      %and3A_11 = arith.andi %iota3A, %and3A : vector<1x8192xi32>
      %ne3A = arith.constant 0 : i32
      %ne3A_12 = vector.broadcast %ne3A : i32 to vector<1x8192xi32>
      %ne3A_13 = arith.cmpi ne, %and3A_11, %ne3A_12 : vector<1x8192xi32>
      %and3A_14 = vector.broadcast %while3A_7 : i32 to vector<1x8192xi32>
      %and3A_15 = arith.andi %iota3A, %and3A_14 : vector<1x8192xi32>
      %eq3A = arith.constant 0 : i32
      %eq3A_16 = vector.broadcast %eq3A : i32 to vector<1x8192xi32>
      %eq3A_17 = arith.cmpi eq, %and3A_15, %eq3A_16 : vector<1x8192xi32>
      %roll3A = tpu.dynamic_rotate %while3A_9 by %while3A_8 dim 1 : vector<16x8192xf32>, i32 -> vector<16x8192xf32>
      %sub3A = arith.constant 8192 : i32
      %sub3A_18 = arith.subi %sub3A, %while3A_8 : i32
      %roll3A_19 = tpu.dynamic_rotate %while3A_9 by %sub3A_18 dim 1 : vector<16x8192xf32>, i32 -> vector<16x8192xf32>
      %broadcast_in_dim3A_20 = vector.shape_cast %ne3A_13 : vector<1x8192xi1> to vector<1x8192xi1>
      %broadcast_in_dim3A_21 = vector.broadcast %broadcast_in_dim3A_20 : vector<1x8192xi1> to vector<16x8192xi1>
      %select_n3A = arith.select %broadcast_in_dim3A_21, %roll3A, %roll3A_19 : vector<16x8192xi1>, vector<16x8192xf32>
      %roll3A_22 = tpu.dynamic_rotate %while3A_10 by %while3A_8 dim 1 : vector<16x8192xi32>, i32 -> vector<16x8192xi32>
      %sub3A_23 = arith.constant 8192 : i32
      %sub3A_24 = arith.subi %sub3A_23, %while3A_8 : i32
      %roll3A_25 = tpu.dynamic_rotate %while3A_10 by %sub3A_24 dim 1 : vector<16x8192xi32>, i32 -> vector<16x8192xi32>
      %broadcast_in_dim3A_26 = vector.shape_cast %ne3A_13 : vector<1x8192xi1> to vector<1x8192xi1>
      %broadcast_in_dim3A_27 = vector.broadcast %broadcast_in_dim3A_26 : vector<1x8192xi1> to vector<16x8192xi1>
      %select_n3A_28 = arith.select %broadcast_in_dim3A_27, %roll3A_22, %roll3A_25 : vector<16x8192xi1>, vector<16x8192xi32>
      %gt3A = arith.cmpf ogt, %while3A_9, %select_n3A : vector<16x8192xf32>
      %eq3A_29 = arith.cmpf oeq, %while3A_9, %select_n3A : vector<16x8192xf32>
      %lt3A = arith.cmpi slt, %while3A_10, %select_n3A_28 : vector<16x8192xi32>
      %and3A_30 = arith.andi %eq3A_29, %lt3A : vector<16x8192xi1>
      %or3A = arith.ori %gt3A, %and3A_30 : vector<16x8192xi1>
      %not3A = arith.constant dense<true> : vector<1x8192xi1>
      %not3A_31 = arith.xori %eq3A_17, %not3A : vector<1x8192xi1>
      %eq3A_32 = arith.xori %ne3A_13, %not3A_31 : vector<1x8192xi1>
      %eq3A_33 = arith.constant dense<true> : vector<1x8192xi1>
      %eq3A_34 = arith.xori %eq3A_32, %eq3A_33 : vector<1x8192xi1>
      %eq3A_35 = vector.broadcast %eq3A_34 : vector<1x8192xi1> to vector<16x8192xi1>
      %eq3A_36 = vector.broadcast %eq3A_35 : vector<16x8192xi1> to vector<16x8192xi1>
      %eq3A_37 = arith.xori %or3A, %eq3A_36 : vector<16x8192xi1>
      %eq3A_38 = arith.constant dense<true> : vector<16x8192xi1>
      %eq3A_39 = arith.xori %eq3A_37, %eq3A_38 : vector<16x8192xi1>
      %select_n3A_40 = arith.select %eq3A_39, %while3A_9, %select_n3A : vector<16x8192xi1>, vector<16x8192xf32>
      %select_n3A_41 = arith.select %eq3A_39, %while3A_10, %select_n3A_28 : vector<16x8192xi1>, vector<16x8192xi32>
      %jit3A = arith.constant 2 : i32
      %div3A = arith.divsi %while3A_8, %jit3A : i32
      %sign3A = arith.constant 0 : i32
      %sign3A_42 = arith.cmpi sgt, %while3A_8, %sign3A : i32
      %sign3A_43 = arith.extui %sign3A_42 : i1 to i32
      %sign3A_44 = arith.constant 0 : i32
      %sign3A_45 = arith.cmpi slt, %while3A_8, %sign3A_44 : i32
      %sign3A_46 = arith.extui %sign3A_45 : i1 to i32
      %sign3A_47 = arith.subi %sign3A_43, %sign3A_46 : i32
      %sign3A_48 = arith.constant 0 : i32
      %sign3A_49 = arith.cmpi sgt, %jit3A, %sign3A_48 : i32
      %sign3A_50 = arith.extui %sign3A_49 : i1 to i32
      %sign3A_51 = arith.constant 0 : i32
      %sign3A_52 = arith.cmpi slt, %jit3A, %sign3A_51 : i32
      %sign3A_53 = arith.extui %sign3A_52 : i1 to i32
      %sign3A_54 = arith.subi %sign3A_50, %sign3A_53 : i32
      %ne3A_55 = arith.cmpi ne, %sign3A_47, %sign3A_54 : i32
      %rem3A = arith.remsi %while3A_8, %jit3A : i32
      %ne3A_56 = arith.constant 0 : i32
      %ne3A_57 = arith.cmpi ne, %rem3A, %ne3A_56 : i32
      %and3A_58 = arith.andi %ne3A_55, %ne3A_57 : i1
      %sub3A_59 = arith.constant 1 : i32
      %sub3A_60 = arith.subi %div3A, %sub3A_59 : i32
      %select_n3A_61 = arith.select %and3A_58, %sub3A_60, %div3A : i32
      %eq3A_62 = arith.constant 0 : i32
      %eq3A_63 = arith.cmpi eq, %select_n3A_61, %eq3A_62 : i32
      %mul3A = arith.constant 2 : i32
      %mul3A_64 = arith.muli %while3A_7, %mul3A : i32
      %select_n3A_65 = arith.select %eq3A_63, %mul3A_64, %while3A_7 : i32
      %eq3A_66 = arith.constant 0 : i32
      %eq3A_67 = arith.cmpi eq, %select_n3A_61, %eq3A_66 : i32
      %jit3A_68 = arith.constant 2 : i32
      %div3A_69 = arith.divsi %select_n3A_65, %jit3A_68 : i32
      %sign3A_70 = arith.constant 0 : i32
      %sign3A_71 = arith.cmpi sgt, %select_n3A_65, %sign3A_70 : i32
      %sign3A_72 = arith.extui %sign3A_71 : i1 to i32
      %sign3A_73 = arith.constant 0 : i32
      %sign3A_74 = arith.cmpi slt, %select_n3A_65, %sign3A_73 : i32
      %sign3A_75 = arith.extui %sign3A_74 : i1 to i32
      %sign3A_76 = arith.subi %sign3A_72, %sign3A_75 : i32
      %sign3A_77 = arith.constant 0 : i32
      %sign3A_78 = arith.cmpi sgt, %jit3A_68, %sign3A_77 : i32
      %sign3A_79 = arith.extui %sign3A_78 : i1 to i32
      %sign3A_80 = arith.constant 0 : i32
      %sign3A_81 = arith.cmpi slt, %jit3A_68, %sign3A_80 : i32
      %sign3A_82 = arith.extui %sign3A_81 : i1 to i32
      %sign3A_83 = arith.subi %sign3A_79, %sign3A_82 : i32
      %ne3A_84 = arith.cmpi ne, %sign3A_76, %sign3A_83 : i32
      %rem3A_85 = arith.remsi %select_n3A_65, %jit3A_68 : i32
      %ne3A_86 = arith.constant 0 : i32
      %ne3A_87 = arith.cmpi ne, %rem3A_85, %ne3A_86 : i32
      %and3A_88 = arith.andi %ne3A_84, %ne3A_87 : i1
      %sub3A_89 = arith.constant 1 : i32
      %sub3A_90 = arith.subi %div3A_69, %sub3A_89 : i32
      %select_n3A_91 = arith.select %and3A_88, %sub3A_90, %div3A_69 : i32
      %select_n3A_92 = arith.select %eq3A_67, %select_n3A_91, %select_n3A_61 : i32
      scf.yield %select_n3A_65, %select_n3A_92, %select_n3A_40, %select_n3A_41 : i32, i32, vector<16x8192xf32>, vector<16x8192xi32>
    }
    %slice3A = vector.extract_strided_slice %while3A_4#3 {offsets = [0, 0], sizes = [16, 2048], strides = [1, 1]} : vector<16x8192xi32> to vector<16x2048xi32>
    %swap3A = arith.constant 0 : index
    %swap3A_5 = arith.constant 0 : index
    %swap3A_6 = vector.load %arg1[%swap3A, %swap3A_5] : memref<16x2048xi32, #tpu.memory_space<vmem>>, vector<16x2048xi32>
    tpu.vector_store %arg1[%swap3A, %swap3A_5], %slice3A {strides = array<i32>} : memref<16x2048xi32, #tpu.memory_space<vmem>>, vector<16x2048xi32>,
    return
  }
}

</mosaic_0001>

<sc_bundles>
// kernel: gather_offload_async_start
scs
__scs_entry_jumppad:
0x0: {  	(pc) =	sbr.rel $0x88, $3  }
0x1: {  	(tag) =	ssettag $0x0;
	lr =	simm.s32 $0x1  }
0x2: {  	[smem:$0x3F9A] =	sst lr;
	_ =	strace $0xD0000000  }
0x3: {  	_ = 	snop  }
0x4: {  	_ = 	snop  }
0x5: {  	_ = 	snop  }
0x6: {  	_ = 	snop  }
0x7: {  	_ = 	snop  }
__scs_overlays_trampoline_lowered:
0x8: {  	[smem:$0x3FA9] =	sst s0  }
0x9: {  	[smem:$0x3FAA] =	sst s1  }
0xa: {  	[smem:$0x3FAB] =	sst s2  }
0xb: {  	[smem:$0x3FAC] =	sst s3  }
0xc: {  	[smem:$0x3FAD] =	sst s4  }
0xd: {  	[smem:$0x3FAE] =	sst s5  }
0xe: {  	[smem:$0x3FAF] =	sst s6  }
0xf: {  	[smem:$0x3FB0] =	sst s7  }
0x10: {  	[smem:$0x3FB1] =	sst s8  }
0x11: {  	[smem:$0x3FB2] =	sst s9;
	s0 =	simm.s32 @!p0 $0x0  }
0x12: {  	s1 =	sld [smem:$0x3F98];
	s0 =	simm.s32 @p0 $0x1  }
0x13: {  	[smem:$0x3FB3] =	sst s0;
	s0 =	simm.s32 @!p1 $0x0  }
0x14: {  	s2 =	sld [smem:$0x3F97];
	s0 =	simm.s32 @p1 $0x1  }
0x15: {  	[smem:$0x3FB4] =	sst s0;
	s0 =	simm.s32 @!p2 $0x0  }
0x16: {  	s3 =	sld [smem:$0x3FDB];
	s0 =	simm.s32 @p2 $0x1  }
0x17: {  	s4 =	simm.s32 $0x1BF5;
	[smem:$0x3FB6] =	sst s0  }
0x18: {  	s0 =	sld [smem:$0x3F99];
	_ =	swait.ge [sflag:s4], $0x0  }
0x19: {  	s7 =	sld [smem:$0x3F9A]  }
0x1a: {  	s8 =	sadd.s32 $0xFFFFE003, lr  }
0x1b: {  	s9 =	sadd.s32 $0xFFFFFEF7, lr;
	s5 =	simm.s32 $0xFFFFFFFF;
	p2 =	slt.u32 s8, $0xFFFFF086  }
0x1c: {  	p1 =	slt.u32 s9, $0xF7A;
	s5 =	simm.s32 @!p2 $0x0  }
0x1d: {  	s5 =	simm.s32 @p1 $0x1;
	p0 =	seq.s32 s7, s2  }
0x1e: {  	s7 =	smul.u32 @!p0 $0xF7A, s2;
	p2 =	seq.s32 @!p0 s5, $0x0  }
0x1f: {  	s9 =	smul.u32 $0xF7A, s1;
	s8 =	simm.s32 @!p0 $0x1BF5;
	p2 =	por !p2, p0  }
0x20: {  	[sflag:s8] =	ssyncset.s32 @!p0 $0xFFFFF086;
	s6 =	sadd.s32 @!p0 s3, s7;
	s7 =	simm.s32 @!p0 $0x108  }
0x21: {  	s3 =	sadd.s32 s3, s9;
	s6 =	sadd.s32 @!p0 $0x88, s6;
	s7 =	simm.s32 @p2 $0x1082  }
0x22: {  	[simem:s7], [sflag:s8] =	dma.local @!p0 [hbm:s6], $0xF7A  }
0x23: {  	s9 =	sor.u32 $0xD0000000, s2;
	s6 =	simm.s32 $0x108;
	_ =	swait.ge @!p0 [sflag:s8], $0x0  }
0x24: {  	s3 =	sadd.s32 $0x88, s3;
	s6 =	simm.s32 @!p1 $0x1082;
	[sflag:s4] =	ssyncset.s32 $0xFFFFF086  }
0x25: {  	[simem:s6], [sflag:s4] =	dma.local [hbm:s3], $0xF7A  }
0x26: {  	[smem:$0x3F9A] =	sst s1;
	(tag) =	ssettag s2;
	_ =	strace s9  }
0x27: {  	s1 =	sld [smem:$0x3FAA]  }
0x28: {  	s2 =	sld [smem:$0x3FAB]  }
0x29: {  	s4 =	sld [smem:$0x3FAD]  }
0x2a: {  	p0 =	seq.s32 s5, $0x0;
	s5 =	sld [smem:$0x3FAE]  }
0x2b: {  	s6 =	sld [smem:$0x3FAF]  }
0x2c: {  	s7 =	sld [smem:$0x3FB0]  }
0x2d: {  	s3 =	simm.s32 $0x108;
	s8 =	sld [smem:$0x3FB1]  }
0x2e: {  	s3 =	simm.s32 @!p0 $0x1082;
	s9 =	sld [smem:$0x3FB2]  }
0x2f: {  	lr =	sadd.s32 s0, s3;
	s0 =	sld [smem:$0x3FA9]  }
0x30: {  	s3 =	sld [smem:$0x3FAC]  }
0x31: {  	[smem:$0x3FB5] =	sst s10  }
0x32: {  	s10 =	sld [smem:$0x3FB3];
	_ =	sdelay $0x3  }
0x33: {  	p0 =	seq.s32 s10, $0x1;
	s10 =	sld [smem:$0x3FB5];
	_ =	sdelay $0x3  }
0x34: {  	[smem:$0x3FB5] =	sst s10  }
0x35: {  	s10 =	sld [smem:$0x3FB4];
	_ =	sdelay $0x3  }
0x36: {  	p1 =	seq.s32 s10, $0x1;
	s10 =	sld [smem:$0x3FB5];
	_ =	sdelay $0x3  }
0x37: {  	[smem:$0x3FB5] =	sst s10  }
0x38: {  	s10 =	sld [smem:$0x3FB6]  }
0x39: {  	_ = 	snop;
	(pc) =	sbr.ind lr, $3  }
0x3a: {  	_ = 	snop  }
0x3b: {  	_ = 	snop  }
0x3c: {  	p2 =	seq.s32 s10, $0x1;
	s10 =	sld [smem:$0x3FB5]  }
0x3d: {  	_ =	shalt  }
0x3e: {  	_ =	shalt  }
0x3f: {  	_ =	shalt  }
0x40: {  	_ =	shalt  }
0x41: {  	_ =	shalt  }
0x42: {  	_ =	shalt  }
0x43: {  	_ =	shalt  }
0x44: {  	_ =	shalt  }
0x45: {  	_ =	shalt  }
0x46: {  	_ =	shalt  }
0x47: {  	_ =	shalt  }
0x48: {  	_ =	shalt  }
0x49: {  	_ =	shalt  }
0x4a: {  	_ =	shalt  }
0x4b: {  	_ =	shalt  }
0x4c: {  	_ =	shalt  }
0x4d: {  	_ =	shalt  }
0x4e: {  	_ =	shalt  }
0x4f: {  	_ =	shalt  }
0x50: {  	_ =	shalt  }
0x51: {  	_ =	shalt  }
0x52: {  	_ =	shalt  }
0x53: {  	_ =	shalt  }
0x54: {  	_ =	shalt  }
0x55: {  	_ =	shalt  }
0x56: {  	_ =	shalt  }
0x57: {  	_ =	shalt  }
0x58: {  	_ =	shalt  }
0x59: {  	_ =	shalt  }
0x5a: {  	_ =	shalt  }
0x5b: {  	_ =	shalt  }
0x5c: {  	_ =	shalt  }
0x5d: {  	_ =	shalt  }
0x5e: {  	_ =	shalt  }
0x5f: {  	_ =	shalt  }
0x60: {  	_ =	shalt  }
0x61: {  	_ =	shalt  }
0x62: {  	_ =	shalt  }
0x63: {  	_ =	shalt  }
0x64: {  	_ =	shalt  }
0x65: {  	_ =	shalt  }
0x66: {  	_ =	shalt  }
0x67: {  	_ =	shalt  }
0x68: {  	_ =	shalt  }
0x69: {  	_ =	shalt  }
0x6a: {  	_ =	shalt  }
0x6b: {  	_ =	shalt  }
0x6c: {  	_ =	shalt  }
0x6d: {  	_ =	shalt  }
0x6e: {  	_ =	shalt  }
0x6f: {  	_ =	shalt  }
0x70: {  	_ =	shalt  }
0x71: {  	_ =	shalt  }
0x72: {  	_ =	shalt  }
0x73: {  	_ =	shalt  }
0x74: {  	_ =	shalt  }
0x75: {  	_ =	shalt  }
0x76: {  	_ =	shalt  }
0x77: {  	_ =	shalt  }
0x78: {  	_ =	shalt  }
0x79: {  	_ =	shalt  }
0x7a: {  	_ =	shalt  }
0x7b: {  	_ =	shalt  }
0x7c: {  	_ =	shalt  }
0x7d: {  	_ =	shalt  }
0x7e: {  	_ =	shalt  }
0x7f: {  	_ =	shalt  }
0x80: {  	_ =	shalt  }
0x81: {  	_ =	shalt  }
0x82: {  	_ =	shalt  }
0x83: {  	_ =	shalt  }
0x84: {  	_ =	shalt  }
0x85: {  	_ =	shalt  }
0x86: {  	_ =	shalt  }
0x87: {  	_ =	shalt  }
.Lfunc_end0:
.L_simem_size_0:
called_computation_lowered:
.L_overlay_start_0:
0x88: {  	s2 =	sld [smem:$0x3FD9]  }
0x89: {  	s3 =	sld [smem:$0x3FFE];
	_ =	sdelay $0x1  }
0x8a: {  	s1 =	srdreg.scid  }
0x8b: {  	s0 =	sand.u32 $0x1, s1  }
0x8c: {  	s14 =	sshll.u32 s0, $0xA;
	s2 =	sadd.s32 s3, s2  }
0x8d: {  	s2 =	sadd.s32 s2, s14  }
0x8e: {  	[smem:$0x3FC1] =	sst s2  }
0x8f: {  	_ = 	snop  }
0x90: {  	s2 =	sld [smem:$0x3FD0];
	_ =	sdelay $0x2  }
0x91: {  	s4 =	simm.s32 $0xA;
	s5 =	simm.s32 $0x10;
	s15 =	sld [smem:$0x3FC9]  }
0x92: {  	[smem:s5], [sflag:s4] =	dma.local [hbm:s2], $0x1  }
0x93: {  	_ =	swait.eq [sflag:s4], $0x1  }
0x94: {  	[sflag:s4] =	ssyncset.done $0x0  }
0x95: {  	[sflag:s4] =	ssyncadd.s32 $0xFFFFFFFF  }
0x96: {  	s16 =	sld [smem:$0x10];
	(tm) =	ssettm $0x1  }
0x97: {  	s17 =	sld [smem:$0x3FFB];
	_ =	sdelay $0x3  }
0x98: {  	_ =	strace s17  }
0x99: {  	s4 =	sld [smem:$0x3FFC];
	_ =	sdelay $0x3  }
0x9a: {  	_ =	strace s4  }
0x9b: {  	s4 =	sld [smem:$0x3FFD];
	_ =	sdelay $0x3  }
0x9c: {  	_ =	strace s4  }
0x9d: {  	_ =	strace $0x8FFFFFFF  }
0x9e: {  	s18 =	sld [smem:$0x3FDB];
	_ =	sdelay $0x1  }
0x9f: {  	s19 =	simm.s32 $_scs_section_size  }
0xa0: {  	s6 =	simm.s32 $_size__tile_overlayer_lowered;
	s7 =	simm.s32 $_tile_overlayer_lowered  }
0xa1: {  	s22 =	simm.s32 $0x1BFF;
	s21 =	sshll.u32 s7, $0x1;
	s4 =	sadd.s32 s19, s18  }
0xa2: {  	s8 =	simm.s32 $0x0;
	s20 =	sshll.u32 s6, $0x1;
	s6 =	sadd.s32 s21, s4  }
0xa3: {  	[timem:s8], [sflag:s22] =	dma.local [hbm:s6], s20  }
0xa4: {  	_ =	swait.ge [sflag:s22], s20  }
0xa5: {  	s5 =	ssub.s32 $0x0, s20;
	[sflag:s22] =	ssyncset.done $0x0  }
0xa6: {  	[sflag:s22] =	ssyncadd.s32 s5;
	_ =	sdelay $0x1  }
0xa7: {  	s23 =	simm.s32 $0x1B8B  }
0xa8: {  	_ =	swait.ge [sflag:s23], $0x1  }
0xa9: {  	[sflag:s23] =	ssyncset.done $0x0  }
0xaa: {  	s25 =	simm.s32 $0x1B8E;
	s24 =	sld [smem:$0x3FFE];
	[sflag:s23] =	ssyncadd.s32 $0xFFFFFFFF  }
0xab: {  	s26 =	simm.s32 $execute0_lowered;
	[smem:$0x3FD2] =	sst s25  }
0xac: {  	s6 =	sshll.u32 s26, $0x1;
	_ =	strace $0x80000046;
	[dreg:$0x1] =	wrdreg $0xFFFFFFFF  }
0xad: {  	s28 =	simm.s32 $_size_execute0_lowered;
	s4 =	sadd.s32 s4, s6;
	[dreg:$0x0] =	wrdreg $0x0  }
0xae: {  	s6 =	sshll.u32 s28, $0x1;
	[dreg:$0x2] =	wrdreg s4  }
0xaf: {  	[dreg:$0x3] =	wrdreg s6  }
0xb0: {  	[dreg:$0x4] =	wrdreg $0xC0  }
0xb1: {  	_ =	task [dreg:s8], $0x5FFFF  }
0xb2: {  	[dreg:$0x1] =	wrdreg $0xFFFFFFFF  }
0xb3: {  	[dreg:$0x0] =	wrdreg $0x60  }
0xb4: {  	[dreg:$0x2] =	wrdreg s15  }
0xb5: {  	[dreg:$0x3] =	wrdreg s24  }
0xb6: {  	[dreg:$0x4] =	wrdreg s16  }
0xb7: {  	[dreg:$0x5] =	wrdreg $0x9  }
0xb8: {  	_ =	task.clear_ibuf [dreg:s8], $0x6FFFF;
	_ =	strace $0x90000046  }
0xb9: {  	s29 =	simm.s32 $0x9;
	_ =	strace $0x80000048  }
0xba: {  	_ =	swait.ge [sflag:s29], $0x1  }
0xbb: {  	[sflag:s29] =	ssyncadd.s32 $0xFFFFFFFF  }
0xbc: {  	_ =	strace $0x90000048  }
0xbd: {  	_ =	sfence  }
0xbe: {  	s30 =	sld [smem:$0x0];
	_ =	sdelay $0x2  }
0xbf: {  	s31 =	sshll.u32 s1, $0xD;
	s1 =	sshrl.u32 s1, $0x2  }
0xc0: {  	s3 =	sand.u32 $0x4000, s31;
	s1 =	sadd.s32 s1, s30  }
0xc1: {  	s0 =	sor.u32 s3, s0;
	s1 =	sshll.u32 s1, $0x11  }
0xc2: {  	s0 =	sor.u32 s1, s0  }
0xc3: {  	s0 =	sadd.s32 $0x8F2B, s0  }
0xc4: {  	[sflag:s0] =	ssyncadd.remote.s32 $0x1  }
0xc5: {  	_ =	sfence.sel $0xFFFF  }
0xc6: {  	[dreg:$0x0] =	wrdreg $0xFFFFFFFF;
	(pc) =	sbr.abs _section_cstart, $3  }
0xc7: {  	[dreg:$0x1] =	wrdreg $0xFFFFFFFF  }
0xc8: {  	_ =	task.clear_ibuf [dreg:s8], $0x2FFFF;
	_ =	strace $0x9FFFFFFF  }
0xc9: {  	(tm) =	ssettm $0x7FFFFFFF  }
tec
execute0_lowered:
.L_overlay_start_1:
0x0: {  	(tag) =	ssettag $0x1  }
0x1: {  	s2 =	rddreg [dreg:$0x0]  }
0x2: {  	s7 =	rddreg [dreg:$0x1]  }
0x3: {  	s3 =	rddreg [dreg:$0x2]  }
0x4: {  	s0 =	rddreg [dreg:$0x3];
	s1 =	srdreg.scid;
	_ =	strace $0x80000047  }
0x5: {  	s4 =	simm.s32 $0x1;
	s9 =	simm.s32 $0x3;
	s5 =	sshll.u32 s1, $0x4  }
.Ltmp0:
0x6: {  	s1 =	stileid.u32;
	s5 =	sand.u32 $0x10, s5;
	(pc) =	sbr.rel .LBB2_1-.Ltmp0, $4  }
0x7: {  	s11 =	simm.s32 $0x0;
	p0 =	por $0x0, $0x0;
	s6 =	sor.u32 s1, s5  }
0x8: {  	[sflag:s4] =	ssyncpa.u1 $0x0;
	s5 =	simm.s32 $0x2;
	s6 =	sshll.u32 s6, $0xA  }
0x9: {  	s7 =	sadd.s32 $0x1800, s7;
	[sflag:s5] =	ssyncpa.u1 $0x0;
	s8 =	sadd.s32 $0x400, s6  }
0xa: {  	vm0 =	vmmov $0xff;
	vm1 =	vcmask $0x3F20;
	[sflag:s9] =	ssyncpa.u1 $0x0;
	s10 =	smov.u32 s6;
	s9 =	simm.s32 $0x0  }
.LBB2_9:
0xb: {  	p1 =	slt.u32 s9, $0x2;
	s11 =	sadd.s32 $0x40, s10  }
0xc: {  	s13 =	smov.u32 s6;
	s9 =	sadd.s32 $0x1, s9;
	p2 =	slt.s32 s11, s8  }
0xd: {  	s13 =	smov.u32 @p2 s11;
	p2 =	sne.s32 s9, $0x12  }
.Ltmp1:
0xe: {  	_ = 	snop;
	(pc) =	sbr.rel @!p2 .LBB2_10-.Ltmp1, $4  }
0xf: {  	s12 =	simm.s32 @!p1 $0x3  }
0x10: {  	_ =	swait.ge @!p1 [sflag:s12], $0xC000  }
0x11: {  	p0 =	por !p0, !p0;
	[sflag:s12] =	ssyncset.done @!p1 $0x0  }
0x12: {  	s11 =	smov.u32 s10;
	s10 =	smov.u32 s13;
	[sflag:s12] =	ssyncadd.s32 @!p1 $0xFFFF4000  }
.LBB2_1:
0x13: {  	p1 =	sgt.u32 s9, $0xF  }
0x14: {  	s12 =	sxor.u32 @!p1 $0xFFFFFFFF, s9  }
0x15: {  	s13 =	sshrl.u32 @!p1 s10, $0x3;
	s12 =	sshll.u32 @!p1 s12, $0x6  }
0x16: {  	s14 =	sand.u32 @!p1 $0x7, s10;
	s13 =	sadd.s32 @!p1 s7, s13;
	s12 =	sand.u32 @!p1 $0x40, s12  }
0x17: {  	[tilespmem:s12], [sflag:$0x2] =	stream.linear.gather @!p1 [hbm4b:s13+s14], $0x40, $0x38;
	[tilespmem:$0x18080] =	vst v63  }
0x18: {  	p1 =	seq.s32 s9, $0x0  }
0x19: {  	p2 =	seq.s32 @!p1 s9, $0x11  }
0x1a: {  	p1 =	por p1, p2  }
.Ltmp2:
0x1b: {  	_ = 	snop;
	(pc) =	sbr.rel @p1 .LBB2_9-.Ltmp2, $1  }
0x1c: {  	_ =	sdelay $0x3  }
0x1d: {  	s12 =	simm.s32 $0x1  }
0x1e: {  	s12 =	simm.s32 @!p0 $0x0  }
0x1f: {  	s12 =	smul.u32 $0x30000, s12;
	_ =	sdelay $0x1  }
0x20: {  	_ =	swait.ge [sflag:s5], $0x40;
	s13 =	sand.u32 $0x1, s9;
	s12 =	sshrl.u32 s12, $0x2  }
0x21: {  	s14 =	simm.s32 $0x0;
	[sflag:s5] =	ssyncset.done $0x0;
	s12 =	sor.u32 $0x80, s12  }
0x22: {  	s13 =	sshll.u32 s13, $0x6;
	[sflag:s5] =	ssyncadd.s32 $0xFFFFFFC0;
	s15 =	smov.u32 s12  }
.LBB2_3:
0x23: {  	s16 =	sshll.u32 s14, $0x4  }
0x24: {  	s16 =	sand.u32 $0x3FFFFFF0, s16  }
0x25: {  	s16 =	sadd.s32 s16, s13  }
0x26: {  	v0 =	vld.msk [tilespmem:s16+$0x0 ss:$0x1], $0xffff;
	_ =	sdelay $0x4  }
0x27: {  	v1 =	vshrl.u32 v0, $0x4  }
0x28: {  	vm2 =	veq.s32 v0, $0x80000000;
	v1 =	vand.u32 $0x1FFF, v1  }
0x29: {  	v0 =	vand.u32 $0xF, v0;
	v1 =	vsel vm2, $0xFFFFFFFF, v1  }
0x2a: {  	v0 =	vmul.u32 $0x600000, v0;
	v2 =	vshrl.u32 v1, $0x3  }
0x2b: {  	v2 =	vmul.u32 $0x1800, v2  }
0x2c: {  	v0 =	vsel vm2, $0xFFA00000, v0;
	v1 =	vshll.u32 v1, $0x7  }
0x2d: {  	v1 =	vand.u32 $0x380, v1;
	v0 =	vadd.s32 v0, v2  }
0x2e: {  	v0 =	vor.u32 v1, v0  }
0x2f: {  	v0 =	vshrl.u32 v0, $0x3;
	_ =	sdelay $0x3  }
0x30: {  	s17 =	sadd.s32 $0x0, s15  }
0x31: {  	[tilespmem:s17], [sflag:$0x1] =	stream.indirect_vreg.gather [hbm:s2], $0x80, v0, vm0, $0x38;
	[tilespmem:$0x18080] =	vst v63  }
0x32: {  	s16 =	simm.s32 $0x1000;
	v1 =	vadd.s32 $0x80, v0;
	s17 =	sadd.s32 $0x1800, s17  }
.LBB2_4:
0x33: {  	[tilespmem:s17], [sflag:$0x1] =	stream.indirect_vreg.gather [hbm:s2], $0x80, v0, vm1, $0x38;
	[tilespmem:$0x18080] =	vst v63  }
0x34: {  	v0 =	vmov v1;
	s17 =	smov.u32 s16;
	p1 =	sne.s32 s16, $0x5000  }
.Ltmp3:
0x35: {  	s16 =	sadd.s32 $0x1000, s16;
	(pc) =	sbr.rel @p1 .LBB2_4-.Ltmp3, $4  }
0x36: {  	s17 =	sshra.s32 s17, $0x2  }
0x37: {  	s17 =	sadd.s32 s17, s15  }
0x38: {  	[tilespmem:s17], [sflag:$0x1] =	stream.indirect_vreg.gather [hbm:s2], $0x80, v1, vm0, $0x38;
	[tilespmem:$0x18080] =	vst v63  }
0x39: {  	s17 =	sadd.s32 $0x1800, s17;
	v1 =	vadd.s32 $0x80, v1  }
0x3a: {  	s14 =	sadd.s32 $0x1, s14  }
0x3b: {  	p1 =	sne.s32 s14, $0x4  }
.Ltmp4:
0x3c: {  	_ = 	snop;
	(pc) =	sbr.rel @p1 .LBB2_3-.Ltmp4, $3  }
0x3d: {  	_ =	sdelay $0x1  }
0x3e: {  	[tilespmem:s17], [sflag:$0x1] =	stream.indirect_vreg.gather [hbm:s2], $0x80, v0, vm1, $0x38;
	[tilespmem:$0x18080] =	vst v63  }
0x3f: {  	s15 =	sadd.s32 $0x3000, s15  }
0x40: {  	s13 =	sshrl.u32 s11, $0x3  }
0x41: {  	s13 =	smul.u32 $0x300, s13  }
0x42: {  	s31 =	sshll.u32 s11, $0x4  }
0x43: {  	_ =	swait.ge [sflag:s4], $0xC000;
	s11 =	sand.u32 $0x70, s31;
	s13 =	sadd.s32 s13, s3  }
0x44: {  	s14 =	sadd.s32 $0x1800, s12;
	[sflag:s4] =	ssyncset.done $0x0;
	s11 =	sadd.s32 s11, s13  }
0x45: {  	[sflag:s4] =	ssyncadd.s32 $0xFFFF4000;
	s13 =	simm.s32 $0x300;
	s15 =	sadd.s32 $0x0, s11  }
.LBB2_7:
0x46: {  	[hbm:s15] =	stream.linear.scatter [tilespmem:s12], [sflag:$0x3], $0x1800, $0x38;
	[tilespmem:$0x18080] =	vst v63  }
0x47: {  	s15 =	smov.u32 s13;
	s12 =	smov.u32 s14;
	p1 =	sne.s32 s13, $0x1500  }
.Ltmp5:
0x48: {  	s13 =	sadd.s32 $0x300, s13;
	(pc) =	sbr.rel @p1 .LBB2_7-.Ltmp5, $2  }
0x49: {  	_ =	sdelay $0x2  }
0x4a: {  	s14 =	sadd.s32 $0x1800, s14;
	s15 =	sadd.s32 s15, s11  }
.Ltmp6:
0x4b: {  	(pc) =	sbr.rel .LBB2_9-.Ltmp6, $2  }
0x4c: {  	_ =	sdelay $0x2  }
0x4d: {  	[hbm:s15] =	stream.linear.scatter [tilespmem:s12], [sflag:$0x3], $0x1800, $0x38;
	[tilespmem:$0x18080] =	vst v63  }
.LBB2_10:
0x4e: {  	_ =	sfence.sel $0x180000  }
0x4f: {  	s2 =	simm.s32 $0x2;
	[bflag:$0x0] =	sbarrier.arrive $0xFFFF  }
0x50: {  	s30 =	simm.s32 $0x3;
	[sflag:s2] =	ssyncpa.u1 $0x1  }
0x51: {  	s31 =	simm.s32 $0x1;
	[sflag:s30] =	ssyncpa.u1 $0x1  }
0x52: {  	[sflag:s31] =	ssyncpa.u1 $0x1  }
0x53: {  	p0 =	sne.s32 s1, $0x0;
	_ =	strace $0x90000047  }
0x54: {  	s0 =	sadd.s32 @!p0 $0x100000, s0;
	[bflag:$0x2] =	sbarrier.arrive $0xFFFF  }
0x55: {  	[sflag:s0] =	ssyncadd.tile.s32 @!p0 $0x1;
	_ =	shalt  }
.Lfunc_end2:
_tile_overlayer_lowered:
.L_overlay_start_2:
0x56: {  	(tag) =	ssettag $0x2  }
0x57: {  	s0 =	rddreg [dreg:$0x0];
	s2 =	stileid.u32  }
0x58: {  	s1 =	rddreg [dreg:$0x1];
	p0 =	sne.s32 s2, $0x0  }
0x59: {  	s3 =	rddreg [dreg:$0x2];
	[bflag:$0x3] =	sbarrier.arrive $0xFFFF;
	s2 =	simm.s32 @!p0 $0x1C01  }
0x5a: {  	[timem:s3], [sflag:s2] =	dma.local @!p0 [hbm:s0], s1  }
0x5b: {  	s0 =	simm.s32 @!p0 $0x1  }
0x5c: {  	_ =	swait.ge @!p0 [sflag:s0], s1  }
0x5d: {  	s1 =	ssub.s32 @!p0 $0x0, s1;
	[sflag:s0] =	ssyncset.done @!p0 $0x0  }
0x5e: {  	[sflag:s0] =	ssyncadd.s32 @!p0 s1  }
0x5f: {  	[bflag:$0x3] =	sbarrier.arrive $0xFFFF  }
0x60: {  	_ =	shalt  }

</sc_bundles>
